<compile_context>
chip_gen: v7x
topology: tpu7x:2x2x1
jax: 0.10.2.dev20260603
libtpu: 0.0.44.dev20260713+nightly
codegen_flags: <defaults>
</compile_context>

<pallas_src>
import functools

import jax
import jax.numpy as jnp
from jax import lax
from jax.experimental import pallas as pl
from jax.experimental.pallas import tpu as pltpu
from jax.experimental.pallas import tpu_sc as plsc

N_E = 1024
E_DIM = 64
BETA = 0.25
TN = 1024


def _vq_kernel(z_ref, wt_ref, oh_ref, idx_ref, loss_ref,
               counts_ref, perp_ref, *, n_total, n_steps):
    step = pl.program_id(0)

    z = z_ref[...]
    z2 = z + z
    wt = wt_ref[...]

    dot2 = jax.lax.dot_general(z2, wt, (((1,), (0,)), ((), ())),
                               preferred_element_type=jnp.float32)
    z_sq = 0.25 * jnp.sum(z2 * z2, axis=1, keepdims=True)
    e_sq = jnp.sum(wt * wt, axis=0, keepdims=True)
    d = (z_sq + e_sq) - dot2

    d_min = jnp.min(d, axis=1, keepdims=True)
    fiota = jax.lax.broadcasted_iota(jnp.int32, (TN, N_E), 1).astype(jnp.float32)
    idx_f = jnp.min(jnp.where(d == d_min, fiota, float(N_E)),
                    axis=1, keepdims=True)
    idx_ref[0] = jnp.transpose(idx_f.astype(jnp.int32))

    one_hot = (fiota == idx_f).astype(jnp.float32)
    oh_ref[...] = one_hot

    @pl.when(step == 0)
    def _init():
        loss_ref[...] = jnp.zeros_like(loss_ref)
        counts_ref[...] = jnp.zeros_like(counts_ref)
        perp_ref[...] = jnp.zeros_like(perp_ref)

    loss_ref[...] += jnp.full(loss_ref.shape, jnp.sum(d_min), jnp.float32)
    ones_row = jnp.ones((1, TN), jnp.float32)
    counts_ref[...] += jax.lax.dot_general(
        ones_row, one_hot, (((1,), (0,)), ((), ())),
        preferred_element_type=jnp.float32)

    @pl.when(step == n_steps - 1)
    def _finalize():
        loss_ref[...] = loss_ref[...] * (BETA / (n_total * E_DIM))
        p = counts_ref[...] / n_total
        ent = -jnp.sum(p * jnp.log(p + 1e-10))
        perp_ref[...] = jnp.full(perp_ref.shape, jnp.exp(ent), jnp.float32)


def _make_sc_gather(n):
    info = plsc.get_sparse_core_info()
    nc, ns = info.num_cores, info.num_subcores
    nw = nc * ns
    b_per_w = n // nw
    half = b_per_w // 2
    chunk = 128
    mesh = plsc.VectorSubcoreMesh(core_axis_name="c", subcore_axis_name="s")

    @functools.partial(
        pl.kernel, mesh=mesh,
        out_type=jax.ShapeDtypeStruct((n, 2 * E_DIM), jnp.float32),
        scratch_types=[
            pltpu.VMEM((b_per_w,), jnp.int32),
            pltpu.VMEM((half, 2 * E_DIM), jnp.float32),
            pltpu.SemaphoreType.DMA,
        ],
    )
    def gather(table_hbm, idx_hbm, out_hbm, idx_v, rows_v, sem):
        wid = lax.axis_index("s") * nc + lax.axis_index("c")
        base = wid * b_per_w
        pltpu.sync_copy(idx_hbm.at[pl.ds(base, b_per_w)], idx_v)
        for h in range(2):
            copies = []
            for j in range(half // chunk):
                r = h * half + j * chunk
                copies.append(pltpu.async_copy(
                    table_hbm.at[idx_v.at[pl.ds(r, chunk)]],
                    rows_v.at[pl.ds(j * chunk, chunk)], sem))
            for c in copies:
                c.wait()
            pltpu.sync_copy(rows_v,
                            out_hbm.at[pl.ds(base + h * half, half)])

    return gather


def kernel(z, W):
    B, C, H, Wd = z.shape
    n = B * H * Wd
    n_steps = n // TN
    z_flat = jnp.transpose(z, (0, 2, 3, 1)).reshape(n, E_DIM)
    wt = W.T

    grid = (n_steps,)
    out_shapes = (
        jax.ShapeDtypeStruct((n, N_E), jnp.float32),
        jax.ShapeDtypeStruct((n_steps, 1, TN), jnp.int32),
        jax.ShapeDtypeStruct((1, 128), jnp.float32),
        jax.ShapeDtypeStruct((1, N_E), jnp.float32),
        jax.ShapeDtypeStruct((1, 128), jnp.float32),
    )
    in_specs = [
        pl.BlockSpec((TN, E_DIM), lambda i: (i, 0)),
        pl.BlockSpec((E_DIM, N_E), lambda i: (0, 0)),
    ]
    out_specs = (
        pl.BlockSpec((TN, N_E), lambda i: (i, 0)),
        pl.BlockSpec((1, 1, TN), lambda i: (i, 0, 0)),
        pl.BlockSpec((1, 128), lambda i: (0, 0)),
        pl.BlockSpec((1, N_E), lambda i: (0, 0)),
        pl.BlockSpec((1, 128), lambda i: (0, 0)),
    )
    one_hot, idx3, loss_o, _counts, perp_o = pl.pallas_call(
        functools.partial(_vq_kernel, n_total=n, n_steps=n_steps),
        grid=grid,
        in_specs=in_specs,
        out_specs=out_specs,
        out_shape=out_shapes,
        compiler_params=pltpu.CompilerParams(
            dimension_semantics=("arbitrary",)),
    )(z_flat, wt)

    indices = idx3.reshape(n)
    w_pad = jnp.pad(W, ((0, 0), (0, E_DIM)))
    zq_pad = _make_sc_gather(n)(w_pad, indices)
    zq_flat = zq_pad[:, :E_DIM]
    z_q = jnp.transpose(zq_flat.reshape(B, H, Wd, E_DIM), (0, 3, 1, 2))
    loss = loss_o[0, 0]
    perplexity = perp_o[0, 0]
    return (loss, z_q, perplexity, one_hot, indices)

# --- scband reference (transcript-rebuilt; emitter-appended) ---
"""Pipeline reference for scband-vector-quantizer-33191507264265 (READ-ONLY COPY).

The authoritative reference and input builder live on the scoring server;
editing this copy changes nothing except your own understanding.
"""

import jax, jax.numpy as jnp
import numpy as np

N_E = 1024
E_DIM = 64
BETA = 0.25

def setup_inputs(seed: int = 0) -> dict:
    key = jax.random.key(seed)
    k1, k2 = jax.random.split(key)
    z = jax.random.normal(k1, (32, 64, 32, 32), dtype=jnp.float32)
    # embedding initialized uniform(-1/n_e, 1/n_e) as in torch module
    W = jax.random.uniform(k2, (N_E, E_DIM), dtype=jnp.float32, minval=-1.0 / N_E, maxval=1.0 / N_E)
    return {"z": z, "W": W}

def reference(z, W):
    # z: (B, C, H, W) with C == e_dim; flatten to NHWC -> (N, e_dim)
    B, C, H, Wd = z.shape
    z_nhwc = jnp.transpose(z, (0, 2, 3, 1))
    z_flat = z_nhwc.reshape(-1, E_DIM)
    # squared euclidean distances to codebook
    z_sq = jnp.sum(z_flat ** 2, axis=1, keepdims=True)            # (N, 1)
    e_sq = jnp.sum(W ** 2, axis=1)                                 # (K,)
    distances = z_sq + e_sq[None, :] - 2.0 * (z_flat @ W.T)        # (N, K)
    indices = jnp.argmin(distances, axis=1)                        # (N,)
    one_hot = jax.nn.one_hot(indices, N_E, dtype=z.dtype)          # (N, K)
    z_q_flat = one_hot @ W                                         # (N, e_dim)
    z_q = jnp.transpose(z_q_flat.reshape(B, H, Wd, E_DIM), (0, 3, 1, 2))
    # use_ema=True branch: loss = beta * mse(z_q, sg[z])
    loss_commit = jnp.mean((z_q - jax.lax.stop_gradient(z)) ** 2)
    loss = BETA * loss_commit
    # perplexity = exp(H(code usage))
    avg_probs = jnp.mean(one_hot, axis=0)
    perplexity = jnp.exp(-jnp.sum(avg_probs * jnp.log(avg_probs + 1e-10)))
    return (loss, z_q, perplexity, one_hot, indices)

if __name__ == "__main__":
    import jax
    _d = setup_inputs()
    print(jax.jit(kernel)(*tuple(_d.values())))

</pallas_src>

<mosaic_0001>
#map = affine_map<(d0, d1) -> (0, 0)>
#map1 = affine_map<(d0, d1) -> (0)>
module attributes {stable_mosaic.version = 14 : i64} {
  func.func @gather(%arg0: i32, %arg1: i32, %arg2: memref<1024x128xf32, #tpu.memory_space<hbm>>, %arg3: memref<32768xi32, #tpu.memory_space<hbm>>, %arg4: memref<32768x128xf32, #tpu.memory_space<hbm>>, %arg5: memref<1024xi32, #tpu.memory_space<vmem>>, %arg6: memref<512x128xf32, #tpu.memory_space<vmem>>, %arg7: memref<!tpu.dma_semaphore, #tpu.memory_space<semaphore_mem>>) attributes {dimension_semantics = [#tpu.dimension_semantics<core_parallel>, #tpu.dimension_semantics<subcore_parallel>], iteration_bounds = array<i64: 2, 16>, scalar_prefetch = 0 : i64, scratch_operands = 3 : i64, tpu.core_type = #tpu.core_type<sc_vector_subcore>, window_params = [{transform_indices = #map}, {transform_indices = #map1}, {transform_indices = #map}]} {
    %mul3A = arith.constant 2 : i32
    %mul3A_0 = arith.muli %arg1, %mul3A : i32
    %add3A = arith.addi %mul3A_0, %arg0 : i32
    %mul3A_1 = arith.constant 1024 : i32
    %mul3A_2 = arith.muli %add3A, %mul3A_1 : i32
    "tpu.region"() ({
      %run_scoped3A = tpu.sem_alloc : memref<!tpu.dma_semaphore, #tpu.memory_space<semaphore_mem>>
      %dma_start3A_133 = tpu.memref_slice %arg3[%mul3A_2] : memref<32768xi32, #tpu.memory_space<hbm>> -> memref<1024xi32, #tpu.memory_space<hbm>>
      %dma_start3A_134 = tpu.memref_slice %arg3[%mul3A_2] : memref<32768xi32, #tpu.memory_space<hbm>> -> memref<1024xi32, #tpu.memory_space<hbm>>
      tpu.enqueue_dma source(%dma_start3A_134 : memref<1024xi32, #tpu.memory_space<hbm>>) target(%arg5 : memref<1024xi32, #tpu.memory_space<vmem>>) target_semaphore(%run_scoped3A : memref<!tpu.dma_semaphore, #tpu.memory_space<semaphore_mem>>)
      %dma_wait3A_135 = tpu.memref_slice %arg3[%mul3A_2] : memref<32768xi32, #tpu.memory_space<hbm>> -> memref<1024xi32, #tpu.memory_space<hbm>>
      %dma_wait3A_136 = tpu.memref_slice %arg3[%mul3A_2] : memref<32768xi32, #tpu.memory_space<hbm>> -> memref<1024xi32, #tpu.memory_space<hbm>>
      tpu.wait_dma2 semaphore(%run_scoped3A : memref<!tpu.dma_semaphore, #tpu.memory_space<semaphore_mem>>) src(%dma_wait3A_136 : memref<1024xi32, #tpu.memory_space<hbm>>) dst(%arg5 : memref<1024xi32, #tpu.memory_space<vmem>>)
      tpu.yield
    }) : () -> ()
    %dma_start3A = arith.constant 0 : i32
    %dma_start3A_3 = arith.constant 0 : i32
    %dma_start3A_4 = tpu.memref_slice %arg6[%dma_start3A, %dma_start3A_3] : memref<512x128xf32, #tpu.memory_space<vmem>> -> memref<128x128xf32, #tpu.memory_space<vmem>>
    %dma_start3A_5 = arith.constant 0 : i32
    %dma_start3A_6 = tpu.memref_slice %arg5[%dma_start3A_5] : memref<1024xi32, #tpu.memory_space<vmem>> -> memref<128xi32, #tpu.memory_space<vmem>>
    %dma_start3A_7 = arith.constant 0 : i32
    %dma_start3A_8 = arith.constant 0 : i32
    %dma_start3A_9 = tpu.memref_slice %arg2[%dma_start3A_7, %dma_start3A_8] : memref<1024x128xf32, #tpu.memory_space<hbm>> -> memref<1024x128xf32, #tpu.memory_space<hbm>>
    tpu.enqueue_indirect_dma source(%dma_start3A_9 : memref<1024x128xf32, #tpu.memory_space<hbm>>) target(%dma_start3A_4 : memref<128x128xf32, #tpu.memory_space<vmem>>) offsets(%dma_start3A_6 : memref<128xi32, #tpu.memory_space<vmem>>) semaphore(%arg7 : memref<!tpu.dma_semaphore, #tpu.memory_space<semaphore_mem>>)
    %dma_start3A_10 = arith.constant 128 : i32
    %dma_start3A_11 = arith.constant 0 : i32
    %dma_start3A_12 = tpu.memref_slice %arg6[%dma_start3A_10, %dma_start3A_11] : memref<512x128xf32, #tpu.memory_space<vmem>> -> memref<128x128xf32, #tpu.memory_space<vmem>>
    %dma_start3A_13 = arith.constant 128 : i32
    %dma_start3A_14 = tpu.memref_slice %arg5[%dma_start3A_13] : memref<1024xi32, #tpu.memory_space<vmem>> -> memref<128xi32, #tpu.memory_space<vmem>>
    %dma_start3A_15 = arith.constant 0 : i32
    %dma_start3A_16 = arith.constant 0 : i32
    %dma_start3A_17 = tpu.memref_slice %arg2[%dma_start3A_15, %dma_start3A_16] : memref<1024x128xf32, #tpu.memory_space<hbm>> -> memref<1024x128xf32, #tpu.memory_space<hbm>>
    tpu.enqueue_indirect_dma source(%dma_start3A_17 : memref<1024x128xf32, #tpu.memory_space<hbm>>) target(%dma_start3A_12 : memref<128x128xf32, #tpu.memory_space<vmem>>) offsets(%dma_start3A_14 : memref<128xi32, #tpu.memory_space<vmem>>) semaphore(%arg7 : memref<!tpu.dma_semaphore, #tpu.memory_space<semaphore_mem>>)
    %dma_start3A_18 = arith.constant 256 : i32
    %dma_start3A_19 = arith.constant 0 : i32
    %dma_start3A_20 = tpu.memref_slice %arg6[%dma_start3A_18, %dma_start3A_19] : memref<512x128xf32, #tpu.memory_space<vmem>> -> memref<128x128xf32, #tpu.memory_space<vmem>>
    %dma_start3A_21 = arith.constant 256 : i32
    %dma_start3A_22 = tpu.memref_slice %arg5[%dma_start3A_21] : memref<1024xi32, #tpu.memory_space<vmem>> -> memref<128xi32, #tpu.memory_space<vmem>>
    %dma_start3A_23 = arith.constant 0 : i32
    %dma_start3A_24 = arith.constant 0 : i32
    %dma_start3A_25 = tpu.memref_slice %arg2[%dma_start3A_23, %dma_start3A_24] : memref<1024x128xf32, #tpu.memory_space<hbm>> -> memref<1024x128xf32, #tpu.memory_space<hbm>>
    tpu.enqueue_indirect_dma source(%dma_start3A_25 : memref<1024x128xf32, #tpu.memory_space<hbm>>) target(%dma_start3A_20 : memref<128x128xf32, #tpu.memory_space<vmem>>) offsets(%dma_start3A_22 : memref<128xi32, #tpu.memory_space<vmem>>) semaphore(%arg7 : memref<!tpu.dma_semaphore, #tpu.memory_space<semaphore_mem>>)
    %dma_start3A_26 = arith.constant 384 : i32
    %dma_start3A_27 = arith.constant 0 : i32
    %dma_start3A_28 = tpu.memref_slice %arg6[%dma_start3A_26, %dma_start3A_27] : memref<512x128xf32, #tpu.memory_space<vmem>> -> memref<128x128xf32, #tpu.memory_space<vmem>>
    %dma_start3A_29 = arith.constant 384 : i32
    %dma_start3A_30 = tpu.memref_slice %arg5[%dma_start3A_29] : memref<1024xi32, #tpu.memory_space<vmem>> -> memref<128xi32, #tpu.memory_space<vmem>>
    %dma_start3A_31 = arith.constant 0 : i32
    %dma_start3A_32 = arith.constant 0 : i32
    %dma_start3A_33 = tpu.memref_slice %arg2[%dma_start3A_31, %dma_start3A_32] : memref<1024x128xf32, #tpu.memory_space<hbm>> -> memref<1024x128xf32, #tpu.memory_space<hbm>>
    tpu.enqueue_indirect_dma source(%dma_start3A_33 : memref<1024x128xf32, #tpu.memory_space<hbm>>) target(%dma_start3A_28 : memref<128x128xf32, #tpu.memory_space<vmem>>) offsets(%dma_start3A_30 : memref<128xi32, #tpu.memory_space<vmem>>) semaphore(%arg7 : memref<!tpu.dma_semaphore, #tpu.memory_space<semaphore_mem>>)
    %dma_wait3A = arith.constant 0 : i32
    %dma_wait3A_34 = arith.constant 0 : i32
    %dma_wait3A_35 = tpu.memref_slice %arg6[%dma_wait3A, %dma_wait3A_34] : memref<512x128xf32, #tpu.memory_space<vmem>> -> memref<128x128xf32, #tpu.memory_space<vmem>>
    %dma_wait3A_36 = arith.constant 0 : i32
    %dma_wait3A_37 = tpu.memref_slice %arg5[%dma_wait3A_36] : memref<1024xi32, #tpu.memory_space<vmem>> -> memref<128xi32, #tpu.memory_space<vmem>>
    %dma_wait3A_38 = arith.constant 0 : i32
    %dma_wait3A_39 = arith.constant 0 : i32
    %dma_wait3A_40 = tpu.memref_slice %arg2[%dma_wait3A_38, %dma_wait3A_39] : memref<1024x128xf32, #tpu.memory_space<hbm>> -> memref<1024x128xf32, #tpu.memory_space<hbm>>
    tpu.wait_indirect_dma semaphore(%arg7 : memref<!tpu.dma_semaphore, #tpu.memory_space<semaphore_mem>>) src(%dma_wait3A_40 : memref<1024x128xf32, #tpu.memory_space<hbm>>) dst(%dma_wait3A_35 : memref<128x128xf32, #tpu.memory_space<vmem>>)
    %dma_wait3A_41 = arith.constant 128 : i32
    %dma_wait3A_42 = arith.constant 0 : i32
    %dma_wait3A_43 = tpu.memref_slice %arg6[%dma_wait3A_41, %dma_wait3A_42] : memref<512x128xf32, #tpu.memory_space<vmem>> -> memref<128x128xf32, #tpu.memory_space<vmem>>
    %dma_wait3A_44 = arith.constant 128 : i32
    %dma_wait3A_45 = tpu.memref_slice %arg5[%dma_wait3A_44] : memref<1024xi32, #tpu.memory_space<vmem>> -> memref<128xi32, #tpu.memory_space<vmem>>
    %dma_wait3A_46 = arith.constant 0 : i32
    %dma_wait3A_47 = arith.constant 0 : i32
    %dma_wait3A_48 = tpu.memref_slice %arg2[%dma_wait3A_46, %dma_wait3A_47] : memref<1024x128xf32, #tpu.memory_space<hbm>> -> memref<1024x128xf32, #tpu.memory_space<hbm>>
    tpu.wait_indirect_dma semaphore(%arg7 : memref<!tpu.dma_semaphore, #tpu.memory_space<semaphore_mem>>) src(%dma_wait3A_48 : memref<1024x128xf32, #tpu.memory_space<hbm>>) dst(%dma_wait3A_43 : memref<128x128xf32, #tpu.memory_space<vmem>>)
    %dma_wait3A_49 = arith.constant 256 : i32
    %dma_wait3A_50 = arith.constant 0 : i32
    %dma_wait3A_51 = tpu.memref_slice %arg6[%dma_wait3A_49, %dma_wait3A_50] : memref<512x128xf32, #tpu.memory_space<vmem>> -> memref<128x128xf32, #tpu.memory_space<vmem>>
    %dma_wait3A_52 = arith.constant 256 : i32
    %dma_wait3A_53 = tpu.memref_slice %arg5[%dma_wait3A_52] : memref<1024xi32, #tpu.memory_space<vmem>> -> memref<128xi32, #tpu.memory_space<vmem>>
    %dma_wait3A_54 = arith.constant 0 : i32
    %dma_wait3A_55 = arith.constant 0 : i32
    %dma_wait3A_56 = tpu.memref_slice %arg2[%dma_wait3A_54, %dma_wait3A_55] : memref<1024x128xf32, #tpu.memory_space<hbm>> -> memref<1024x128xf32, #tpu.memory_space<hbm>>
    tpu.wait_indirect_dma semaphore(%arg7 : memref<!tpu.dma_semaphore, #tpu.memory_space<semaphore_mem>>) src(%dma_wait3A_56 : memref<1024x128xf32, #tpu.memory_space<hbm>>) dst(%dma_wait3A_51 : memref<128x128xf32, #tpu.memory_space<vmem>>)
    %dma_wait3A_57 = arith.constant 384 : i32
    %dma_wait3A_58 = arith.constant 0 : i32
    %dma_wait3A_59 = tpu.memref_slice %arg6[%dma_wait3A_57, %dma_wait3A_58] : memref<512x128xf32, #tpu.memory_space<vmem>> -> memref<128x128xf32, #tpu.memory_space<vmem>>
    %dma_wait3A_60 = arith.constant 384 : i32
    %dma_wait3A_61 = tpu.memref_slice %arg5[%dma_wait3A_60] : memref<1024xi32, #tpu.memory_space<vmem>> -> memref<128xi32, #tpu.memory_space<vmem>>
    %dma_wait3A_62 = arith.constant 0 : i32
    %dma_wait3A_63 = arith.constant 0 : i32
    %dma_wait3A_64 = tpu.memref_slice %arg2[%dma_wait3A_62, %dma_wait3A_63] : memref<1024x128xf32, #tpu.memory_space<hbm>> -> memref<1024x128xf32, #tpu.memory_space<hbm>>
    tpu.wait_indirect_dma semaphore(%arg7 : memref<!tpu.dma_semaphore, #tpu.memory_space<semaphore_mem>>) src(%dma_wait3A_64 : memref<1024x128xf32, #tpu.memory_space<hbm>>) dst(%dma_wait3A_59 : memref<128x128xf32, #tpu.memory_space<vmem>>)
    %add3A_65 = arith.constant 0 : i32
    %add3A_66 = arith.addi %mul3A_2, %add3A_65 : i32
    "tpu.region"() ({
      %run_scoped3A = tpu.sem_alloc : memref<!tpu.dma_semaphore, #tpu.memory_space<semaphore_mem>>
      %dma_start3A_133 = arith.constant 0 : i32
      %dma_start3A_134 = tpu.memref_slice %arg4[%add3A_66, %dma_start3A_133] : memref<32768x128xf32, #tpu.memory_space<hbm>> -> memref<512x128xf32, #tpu.memory_space<hbm>>
      %dma_start3A_135 = arith.constant 0 : i32
      %dma_start3A_136 = tpu.memref_slice %arg4[%add3A_66, %dma_start3A_135] : memref<32768x128xf32, #tpu.memory_space<hbm>> -> memref<512x128xf32, #tpu.memory_space<hbm>>
      tpu.enqueue_dma source(%arg6 : memref<512x128xf32, #tpu.memory_space<vmem>>) target(%dma_start3A_136 : memref<512x128xf32, #tpu.memory_space<hbm>>) target_semaphore(%run_scoped3A : memref<!tpu.dma_semaphore, #tpu.memory_space<semaphore_mem>>)
      %dma_wait3A_137 = arith.constant 0 : i32
      %dma_wait3A_138 = tpu.memref_slice %arg4[%add3A_66, %dma_wait3A_137] : memref<32768x128xf32, #tpu.memory_space<hbm>> -> memref<512x128xf32, #tpu.memory_space<hbm>>
      %dma_wait3A_139 = arith.constant 0 : i32
      %dma_wait3A_140 = tpu.memref_slice %arg4[%add3A_66, %dma_wait3A_139] : memref<32768x128xf32, #tpu.memory_space<hbm>> -> memref<512x128xf32, #tpu.memory_space<hbm>>
      tpu.wait_dma2 semaphore(%run_scoped3A : memref<!tpu.dma_semaphore, #tpu.memory_space<semaphore_mem>>) src(%arg6 : memref<512x128xf32, #tpu.memory_space<vmem>>) dst(%dma_wait3A_140 : memref<512x128xf32, #tpu.memory_space<hbm>>)
      tpu.yield
    }) : () -> ()
    %dma_start3A_67 = arith.constant 0 : i32
    %dma_start3A_68 = arith.constant 0 : i32
    %dma_start3A_69 = tpu.memref_slice %arg6[%dma_start3A_67, %dma_start3A_68] : memref<512x128xf32, #tpu.memory_space<vmem>> -> memref<128x128xf32, #tpu.memory_space<vmem>>
    %dma_start3A_70 = arith.constant 512 : i32
    %dma_start3A_71 = tpu.memref_slice %arg5[%dma_start3A_70] : memref<1024xi32, #tpu.memory_space<vmem>> -> memref<128xi32, #tpu.memory_space<vmem>>
    %dma_start3A_72 = arith.constant 0 : i32
    %dma_start3A_73 = arith.constant 0 : i32
    %dma_start3A_74 = tpu.memref_slice %arg2[%dma_start3A_72, %dma_start3A_73] : memref<1024x128xf32, #tpu.memory_space<hbm>> -> memref<1024x128xf32, #tpu.memory_space<hbm>>
    tpu.enqueue_indirect_dma source(%dma_start3A_74 : memref<1024x128xf32, #tpu.memory_space<hbm>>) target(%dma_start3A_69 : memref<128x128xf32, #tpu.memory_space<vmem>>) offsets(%dma_start3A_71 : memref<128xi32, #tpu.memory_space<vmem>>) semaphore(%arg7 : memref<!tpu.dma_semaphore, #tpu.memory_space<semaphore_mem>>)
    %dma_start3A_75 = arith.constant 128 : i32
    %dma_start3A_76 = arith.constant 0 : i32
    %dma_start3A_77 = tpu.memref_slice %arg6[%dma_start3A_75, %dma_start3A_76] : memref<512x128xf32, #tpu.memory_space<vmem>> -> memref<128x128xf32, #tpu.memory_space<vmem>>
    %dma_start3A_78 = arith.constant 640 : i32
    %dma_start3A_79 = tpu.memref_slice %arg5[%dma_start3A_78] : memref<1024xi32, #tpu.memory_space<vmem>> -> memref<128xi32, #tpu.memory_space<vmem>>
    %dma_start3A_80 = arith.constant 0 : i32
    %dma_start3A_81 = arith.constant 0 : i32
    %dma_start3A_82 = tpu.memref_slice %arg2[%dma_start3A_80, %dma_start3A_81] : memref<1024x128xf32, #tpu.memory_space<hbm>> -> memref<1024x128xf32, #tpu.memory_space<hbm>>
    tpu.enqueue_indirect_dma source(%dma_start3A_82 : memref<1024x128xf32, #tpu.memory_space<hbm>>) target(%dma_start3A_77 : memref<128x128xf32, #tpu.memory_space<vmem>>) offsets(%dma_start3A_79 : memref<128xi32, #tpu.memory_space<vmem>>) semaphore(%arg7 : memref<!tpu.dma_semaphore, #tpu.memory_space<semaphore_mem>>)
    %dma_start3A_83 = arith.constant 256 : i32
    %dma_start3A_84 = arith.constant 0 : i32
    %dma_start3A_85 = tpu.memref_slice %arg6[%dma_start3A_83, %dma_start3A_84] : memref<512x128xf32, #tpu.memory_space<vmem>> -> memref<128x128xf32, #tpu.memory_space<vmem>>
    %dma_start3A_86 = arith.constant 768 : i32
    %dma_start3A_87 = tpu.memref_slice %arg5[%dma_start3A_86] : memref<1024xi32, #tpu.memory_space<vmem>> -> memref<128xi32, #tpu.memory_space<vmem>>
    %dma_start3A_88 = arith.constant 0 : i32
    %dma_start3A_89 = arith.constant 0 : i32
    %dma_start3A_90 = tpu.memref_slice %arg2[%dma_start3A_88, %dma_start3A_89] : memref<1024x128xf32, #tpu.memory_space<hbm>> -> memref<1024x128xf32, #tpu.memory_space<hbm>>
    tpu.enqueue_indirect_dma source(%dma_start3A_90 : memref<1024x128xf32, #tpu.memory_space<hbm>>) target(%dma_start3A_85 : memref<128x128xf32, #tpu.memory_space<vmem>>) offsets(%dma_start3A_87 : memref<128xi32, #tpu.memory_space<vmem>>) semaphore(%arg7 : memref<!tpu.dma_semaphore, #tpu.memory_space<semaphore_mem>>)
    %dma_start3A_91 = arith.constant 384 : i32
    %dma_start3A_92 = arith.constant 0 : i32
    %dma_start3A_93 = tpu.memref_slice %arg6[%dma_start3A_91, %dma_start3A_92] : memref<512x128xf32, #tpu.memory_space<vmem>> -> memref<128x128xf32, #tpu.memory_space<vmem>>
    %dma_start3A_94 = arith.constant 896 : i32
    %dma_start3A_95 = tpu.memref_slice %arg5[%dma_start3A_94] : memref<1024xi32, #tpu.memory_space<vmem>> -> memref<128xi32, #tpu.memory_space<vmem>>
    %dma_start3A_96 = arith.constant 0 : i32
    %dma_start3A_97 = arith.constant 0 : i32
    %dma_start3A_98 = tpu.memref_slice %arg2[%dma_start3A_96, %dma_start3A_97] : memref<1024x128xf32, #tpu.memory_space<hbm>> -> memref<1024x128xf32, #tpu.memory_space<hbm>>
    tpu.enqueue_indirect_dma source(%dma_start3A_98 : memref<1024x128xf32, #tpu.memory_space<hbm>>) target(%dma_start3A_93 : memref<128x128xf32, #tpu.memory_space<vmem>>) offsets(%dma_start3A_95 : memref<128xi32, #tpu.memory_space<vmem>>) semaphore(%arg7 : memref<!tpu.dma_semaphore, #tpu.memory_space<semaphore_mem>>)
    %dma_wait3A_99 = arith.constant 0 : i32
    %dma_wait3A_100 = arith.constant 0 : i32
    %dma_wait3A_101 = tpu.memref_slice %arg6[%dma_wait3A_99, %dma_wait3A_100] : memref<512x128xf32, #tpu.memory_space<vmem>> -> memref<128x128xf32, #tpu.memory_space<vmem>>
    %dma_wait3A_102 = arith.constant 512 : i32
    %dma_wait3A_103 = tpu.memref_slice %arg5[%dma_wait3A_102] : memref<1024xi32, #tpu.memory_space<vmem>> -> memref<128xi32, #tpu.memory_space<vmem>>
    %dma_wait3A_104 = arith.constant 0 : i32
    %dma_wait3A_105 = arith.constant 0 : i32
    %dma_wait3A_106 = tpu.memref_slice %arg2[%dma_wait3A_104, %dma_wait3A_105] : memref<1024x128xf32, #tpu.memory_space<hbm>> -> memref<1024x128xf32, #tpu.memory_space<hbm>>
    tpu.wait_indirect_dma semaphore(%arg7 : memref<!tpu.dma_semaphore, #tpu.memory_space<semaphore_mem>>) src(%dma_wait3A_106 : memref<1024x128xf32, #tpu.memory_space<hbm>>) dst(%dma_wait3A_101 : memref<128x128xf32, #tpu.memory_space<vmem>>)
    %dma_wait3A_107 = arith.constant 128 : i32
    %dma_wait3A_108 = arith.constant 0 : i32
    %dma_wait3A_109 = tpu.memref_slice %arg6[%dma_wait3A_107, %dma_wait3A_108] : memref<512x128xf32, #tpu.memory_space<vmem>> -> memref<128x128xf32, #tpu.memory_space<vmem>>
    %dma_wait3A_110 = arith.constant 640 : i32
    %dma_wait3A_111 = tpu.memref_slice %arg5[%dma_wait3A_110] : memref<1024xi32, #tpu.memory_space<vmem>> -> memref<128xi32, #tpu.memory_space<vmem>>
    %dma_wait3A_112 = arith.constant 0 : i32
    %dma_wait3A_113 = arith.constant 0 : i32
    %dma_wait3A_114 = tpu.memref_slice %arg2[%dma_wait3A_112, %dma_wait3A_113] : memref<1024x128xf32, #tpu.memory_space<hbm>> -> memref<1024x128xf32, #tpu.memory_space<hbm>>
    tpu.wait_indirect_dma semaphore(%arg7 : memref<!tpu.dma_semaphore, #tpu.memory_space<semaphore_mem>>) src(%dma_wait3A_114 : memref<1024x128xf32, #tpu.memory_space<hbm>>) dst(%dma_wait3A_109 : memref<128x128xf32, #tpu.memory_space<vmem>>)
    %dma_wait3A_115 = arith.constant 256 : i32
    %dma_wait3A_116 = arith.constant 0 : i32
    %dma_wait3A_117 = tpu.memref_slice %arg6[%dma_wait3A_115, %dma_wait3A_116] : memref<512x128xf32, #tpu.memory_space<vmem>> -> memref<128x128xf32, #tpu.memory_space<vmem>>
    %dma_wait3A_118 = arith.constant 768 : i32
    %dma_wait3A_119 = tpu.memref_slice %arg5[%dma_wait3A_118] : memref<1024xi32, #tpu.memory_space<vmem>> -> memref<128xi32, #tpu.memory_space<vmem>>
    %dma_wait3A_120 = arith.constant 0 : i32
    %dma_wait3A_121 = arith.constant 0 : i32
    %dma_wait3A_122 = tpu.memref_slice %arg2[%dma_wait3A_120, %dma_wait3A_121] : memref<1024x128xf32, #tpu.memory_space<hbm>> -> memref<1024x128xf32, #tpu.memory_space<hbm>>
    tpu.wait_indirect_dma semaphore(%arg7 : memref<!tpu.dma_semaphore, #tpu.memory_space<semaphore_mem>>) src(%dma_wait3A_122 : memref<1024x128xf32, #tpu.memory_space<hbm>>) dst(%dma_wait3A_117 : memref<128x128xf32, #tpu.memory_space<vmem>>)
    %dma_wait3A_123 = arith.constant 384 : i32
    %dma_wait3A_124 = arith.constant 0 : i32
    %dma_wait3A_125 = tpu.memref_slice %arg6[%dma_wait3A_123, %dma_wait3A_124] : memref<512x128xf32, #tpu.memory_space<vmem>> -> memref<128x128xf32, #tpu.memory_space<vmem>>
    %dma_wait3A_126 = arith.constant 896 : i32
    %dma_wait3A_127 = tpu.memref_slice %arg5[%dma_wait3A_126] : memref<1024xi32, #tpu.memory_space<vmem>> -> memref<128xi32, #tpu.memory_space<vmem>>
    %dma_wait3A_128 = arith.constant 0 : i32
    %dma_wait3A_129 = arith.constant 0 : i32
    %dma_wait3A_130 = tpu.memref_slice %arg2[%dma_wait3A_128, %dma_wait3A_129] : memref<1024x128xf32, #tpu.memory_space<hbm>> -> memref<1024x128xf32, #tpu.memory_space<hbm>>
    tpu.wait_indirect_dma semaphore(%arg7 : memref<!tpu.dma_semaphore, #tpu.memory_space<semaphore_mem>>) src(%dma_wait3A_130 : memref<1024x128xf32, #tpu.memory_space<hbm>>) dst(%dma_wait3A_125 : memref<128x128xf32, #tpu.memory_space<vmem>>)
    %add3A_131 = arith.constant 512 : i32
    %add3A_132 = arith.addi %mul3A_2, %add3A_131 : i32
    "tpu.region"() ({
      %run_scoped3A = tpu.sem_alloc : memref<!tpu.dma_semaphore, #tpu.memory_space<semaphore_mem>>
      %dma_start3A_133 = arith.constant 0 : i32
      %dma_start3A_134 = tpu.memref_slice %arg4[%add3A_132, %dma_start3A_133] : memref<32768x128xf32, #tpu.memory_space<hbm>> -> memref<512x128xf32, #tpu.memory_space<hbm>>
      %dma_start3A_135 = arith.constant 0 : i32
      %dma_start3A_136 = tpu.memref_slice %arg4[%add3A_132, %dma_start3A_135] : memref<32768x128xf32, #tpu.memory_space<hbm>> -> memref<512x128xf32, #tpu.memory_space<hbm>>
      tpu.enqueue_dma source(%arg6 : memref<512x128xf32, #tpu.memory_space<vmem>>) target(%dma_start3A_136 : memref<512x128xf32, #tpu.memory_space<hbm>>) target_semaphore(%run_scoped3A : memref<!tpu.dma_semaphore, #tpu.memory_space<semaphore_mem>>)
      %dma_wait3A_137 = arith.constant 0 : i32
      %dma_wait3A_138 = tpu.memref_slice %arg4[%add3A_132, %dma_wait3A_137] : memref<32768x128xf32, #tpu.memory_space<hbm>> -> memref<512x128xf32, #tpu.memory_space<hbm>>
      %dma_wait3A_139 = arith.constant 0 : i32
      %dma_wait3A_140 = tpu.memref_slice %arg4[%add3A_132, %dma_wait3A_139] : memref<32768x128xf32, #tpu.memory_space<hbm>> -> memref<512x128xf32, #tpu.memory_space<hbm>>
      tpu.wait_dma2 semaphore(%run_scoped3A : memref<!tpu.dma_semaphore, #tpu.memory_space<semaphore_mem>>) src(%arg6 : memref<512x128xf32, #tpu.memory_space<vmem>>) dst(%dma_wait3A_140 : memref<512x128xf32, #tpu.memory_space<hbm>>)
      tpu.yield
    }) : () -> ()
    return
  }
}

module attributes {stable_mosaic.version = 14 : i64} {
  func.func @_vq_kernel(%arg0: i32, %arg1: memref<1024x64xf32, #tpu.memory_space<vmem>>, %arg2: memref<64x1024xf32, #tpu.memory_space<vmem>>, %arg3: memref<1024x1024xf32, #tpu.memory_space<vmem>>, %arg4: memref<1x1x1024xi32, #tpu.memory_space<vmem>>, %arg5: memref<1x128xf32, #tpu.memory_space<vmem>>, %arg6: memref<1x1024xf32, #tpu.memory_space<vmem>>, %arg7: memref<1x128xf32, #tpu.memory_space<vmem>>) attributes {dimension_semantics = [#tpu.dimension_semantics<arbitrary>], iteration_bounds = array<i64: 32>, scalar_prefetch = 0 : i64, scratch_operands = 0 : i64, tpu.core_type = #tpu.core_type<tc>, window_params = [{transform_indices = @transform_0, window_bounds = array<i64: 1024, 64>}, {pipeline_mode = #tpu.pipeline_mode<synchronous>, transform_indices = @transform_1, window_bounds = array<i64: 64, 1024>}, {transform_indices = @transform_2, window_bounds = array<i64: 1024, 1024>}, {transform_indices = @transform_3, window_bounds = array<i64: 1, 1, 1024>}, {pipeline_mode = #tpu.pipeline_mode<synchronous>, transform_indices = @transform_4, window_bounds = array<i64: 1, 128>}, {pipeline_mode = #tpu.pipeline_mode<synchronous>, transform_indices = @transform_5, window_bounds = array<i64: 1, 1024>}, {pipeline_mode = #tpu.pipeline_mode<synchronous>, transform_indices = @transform_6, window_bounds = array<i64: 1, 128>}]} {
    %get3A = arith.constant 0 : index
    %get3A_0 = arith.constant 0 : index
    %get3A_1 = vector.load %arg1[%get3A, %get3A_0] : memref<1024x64xf32, #tpu.memory_space<vmem>>, vector<1024x64xf32>
    %add3A = arith.addf %get3A_1, %get3A_1 : vector<1024x64xf32>
    %get3A_2 = arith.constant 0 : index
    %get3A_3 = arith.constant 0 : index
    %get3A_4 = vector.load %arg2[%get3A_2, %get3A_3] : memref<64x1024xf32, #tpu.memory_space<vmem>>, vector<64x1024xf32>
    %dot_general3A = arith.constant dense<0.000000e+00> : vector<1024x1024xf32>
    %dot_general3A_5 = tpu.matmul %add3A, %get3A_4, %dot_general3A {dimension_numbers = #tpu.dot_dimension_numbers<[1], [0], [0], [1], [0, 0, 1, 1], [], []>, transpose_lhs_hint = false} : vector<1024x64xf32>, vector<64x1024xf32>, vector<1024x1024xf32> -> vector<1024x1024xf32>
    %mul3A = arith.mulf %add3A, %add3A : vector<1024x64xf32>
    %reduce_sum3A = arith.constant dense<0.000000e+00> : vector<1024xf32>
    %reduce_sum3A_6 = vector.multi_reduction <add>, %mul3A, %reduce_sum3A [1] : vector<1024x64xf32> to vector<1024xf32>
    %broadcast_in_dim3A = vector.shape_cast %reduce_sum3A_6 : vector<1024xf32> to vector<1024x1xf32>
    %mul3A_7 = arith.constant 2.500000e-01 : f32
    %mul3A_8 = vector.broadcast %mul3A_7 : f32 to vector<1024x1xf32>
    %mul3A_9 = arith.mulf %mul3A_8, %broadcast_in_dim3A : vector<1024x1xf32>
    %mul3A_10 = arith.mulf %get3A_4, %get3A_4 : vector<64x1024xf32>
    %reduce_sum3A_11 = arith.constant dense<0.000000e+00> : vector<1024xf32>
    %reduce_sum3A_12 = vector.multi_reduction <add>, %mul3A_10, %reduce_sum3A_11 [0] : vector<64x1024xf32> to vector<1024xf32>
    %broadcast_in_dim3A_13 = vector.shape_cast %reduce_sum3A_12 : vector<1024xf32> to vector<1x1024xf32>
    %add3A_14 = vector.broadcast %mul3A_9 : vector<1024x1xf32> to vector<1024x1024xf32>
    %add3A_15 = vector.broadcast %broadcast_in_dim3A_13 : vector<1x1024xf32> to vector<1024x1024xf32>
    %add3A_16 = arith.addf %add3A_14, %add3A_15 : vector<1024x1024xf32>
    %sub3A = arith.subf %add3A_16, %dot_general3A_5 : vector<1024x1024xf32>
    %reduce_min3A = arith.constant dense<0x7F800000> : vector<1024xf32>
    %reduce_min3A_17 = vector.multi_reduction <minimumf>, %sub3A, %reduce_min3A [1] : vector<1024x1024xf32> to vector<1024xf32>
    %broadcast_in_dim3A_18 = vector.shape_cast %reduce_min3A_17 : vector<1024xf32> to vector<1024x1xf32>
    %iota3A = tpu.iota {dimensions = array<i32: 1>} : vector<1024x1024xi32>
    %convert_element_type3A = arith.sitofp %iota3A : vector<1024x1024xi32> to vector<1024x1024xf32>
    %eq3A = vector.broadcast %broadcast_in_dim3A_18 : vector<1024x1xf32> to vector<1024x1024xf32>
    %eq3A_19 = arith.cmpf oeq, %sub3A, %eq3A : vector<1024x1024xf32>
    %jit3A = arith.constant 1.024000e+03 : f32
    %broadcast_in_dim3A_20 = vector.broadcast %jit3A : f32 to vector<1024x1024xf32>
    %select_n3A = arith.select %eq3A_19, %convert_element_type3A, %broadcast_in_dim3A_20 : vector<1024x1024xi1>, vector<1024x1024xf32>
    %reduce_min3A_21 = arith.constant dense<0x7F800000> : vector<1024xf32>
    %reduce_min3A_22 = vector.multi_reduction <minimumf>, %select_n3A, %reduce_min3A_21 [1] : vector<1024x1024xf32> to vector<1024xf32>
    %broadcast_in_dim3A_23 = vector.shape_cast %reduce_min3A_22 : vector<1024xf32> to vector<1024x1xf32>
    %convert_element_type3A_24 = arith.fptosi %broadcast_in_dim3A_23 : vector<1024x1xf32> to vector<1024x1xi32>
    %transpose3A = tpu.transpose %convert_element_type3A_24, [1, 0] : vector<1024x1xi32> -> vector<1x1024xi32>
    %swap3A = arith.constant 0 : index
    %swap3A_25 = arith.constant 0 : index
    %swap3A_26 = arith.constant 0 : index
    %swap3A_27 = vector.load %arg4[%swap3A, %swap3A_25, %swap3A_26] : memref<1x1x1024xi32, #tpu.memory_space<vmem>>, vector<1x1x1024xi32>
    %swap3A_28 = vector.shape_cast %swap3A_27 : vector<1x1x1024xi32> to vector<1x1024xi32>
    %swap3A_29 = vector.shape_cast %transpose3A : vector<1x1024xi32> to vector<1x1x1024xi32>
    tpu.vector_store %arg4[%swap3A, %swap3A_25, %swap3A_26], %swap3A_29 {strides = array<i32>} : memref<1x1x1024xi32, #tpu.memory_space<vmem>>, vector<1x1x1024xi32>,
    %eq3A_30 = vector.broadcast %broadcast_in_dim3A_23 : vector<1024x1xf32> to vector<1024x1024xf32>
    %eq3A_31 = arith.cmpf oeq, %convert_element_type3A, %eq3A_30 : vector<1024x1024xf32>
    %convert_element_type3A_32 = arith.extui %eq3A_31 : vector<1024x1024xi1> to vector<1024x1024xi32>
    %convert_element_type3A_33 = arith.sitofp %convert_element_type3A_32 : vector<1024x1024xi32> to vector<1024x1024xf32>
    %swap3A_34 = arith.constant 0 : index
    %swap3A_35 = arith.constant 0 : index
    %swap3A_36 = vector.load %arg3[%swap3A_34, %swap3A_35] : memref<1024x1024xf32, #tpu.memory_space<vmem>>, vector<1024x1024xf32>
    tpu.vector_store %arg3[%swap3A_34, %swap3A_35], %convert_element_type3A_33 {strides = array<i32>} : memref<1024x1024xf32, #tpu.memory_space<vmem>>, vector<1024x1024xf32>,
    %eq3A_37 = arith.constant 0 : i32
    %eq3A_38 = arith.cmpi eq, %arg0, %eq3A_37 : i32
    %convert_element_type3A_39 = arith.extui %eq3A_38 : i1 to i32
    %cond3A = arith.constant 0 : i32
    %cond3A_40 = arith.cmpi ne, %convert_element_type3A_39, %cond3A : i32
    scf.if %cond3A_40 {
      %broadcast_in_dim3A_70 = arith.constant 0.000000e+00 : f32
      %broadcast_in_dim3A_71 = vector.broadcast %broadcast_in_dim3A_70 : f32 to vector<1x128xf32>
      %swap3A_72 = arith.constant 0 : index
      %swap3A_73 = arith.constant 0 : index
      %swap3A_74 = vector.load %arg5[%swap3A_72, %swap3A_73] : memref<1x128xf32, #tpu.memory_space<vmem>>, vector<1x128xf32>
      tpu.vector_store %arg5[%swap3A_72, %swap3A_73], %broadcast_in_dim3A_71 {strides = array<i32>} : memref<1x128xf32, #tpu.memory_space<vmem>>, vector<1x128xf32>,
      %broadcast_in_dim3A_75 = arith.constant 0.000000e+00 : f32
      %broadcast_in_dim3A_76 = vector.broadcast %broadcast_in_dim3A_75 : f32 to vector<1x1024xf32>
      %swap3A_77 = arith.constant 0 : index
      %swap3A_78 = arith.constant 0 : index
      %swap3A_79 = vector.load %arg6[%swap3A_77, %swap3A_78] : memref<1x1024xf32, #tpu.memory_space<vmem>>, vector<1x1024xf32>
      tpu.vector_store %arg6[%swap3A_77, %swap3A_78], %broadcast_in_dim3A_76 {strides = array<i32>} : memref<1x1024xf32, #tpu.memory_space<vmem>>, vector<1x1024xf32>,
      %broadcast_in_dim3A_80 = arith.constant 0.000000e+00 : f32
      %broadcast_in_dim3A_81 = vector.broadcast %broadcast_in_dim3A_80 : f32 to vector<1x128xf32>
      %swap3A_82 = arith.constant 0 : index
      %swap3A_83 = arith.constant 0 : index
      %swap3A_84 = vector.load %arg7[%swap3A_82, %swap3A_83] : memref<1x128xf32, #tpu.memory_space<vmem>>, vector<1x128xf32>
      tpu.vector_store %arg7[%swap3A_82, %swap3A_83], %broadcast_in_dim3A_81 {strides = array<i32>} : memref<1x128xf32, #tpu.memory_space<vmem>>, vector<1x128xf32>,
    } else {
    }
    %get3A_41 = arith.constant 0 : index
    %get3A_42 = arith.constant 0 : index
    %get3A_43 = vector.load %arg5[%get3A_41, %get3A_42] : memref<1x128xf32, #tpu.memory_space<vmem>>, vector<1x128xf32>
    %reduce_sum3A_44 = vector.shape_cast %broadcast_in_dim3A_18 : vector<1024x1xf32> to vector<1x1024x1xf32>
    %reduce_sum3A_45 = arith.constant dense<0.000000e+00> : vector<1xf32>
    %reduce_sum3A_46 = vector.multi_reduction <add>, %reduce_sum3A_44, %reduce_sum3A_45 [1, 2] : vector<1x1024x1xf32> to vector<1xf32>
    %reduce_sum3A_47 = vector.shape_cast %reduce_sum3A_46 : vector<1xf32> to vector<1x1x1xf32>
    %reduce_sum3A_48 = vector.extract %reduce_sum3A_47[0, 0, 0] : f32 from vector<1x1x1xf32>
    %broadcast_in_dim3A_49 = vector.broadcast %reduce_sum3A_48 : f32 to vector<1x128xf32>
    %add3A_50 = arith.addf %get3A_43, %broadcast_in_dim3A_49 : vector<1x128xf32>
    %swap3A_51 = arith.constant 0 : index
    %swap3A_52 = arith.constant 0 : index
    %swap3A_53 = vector.load %arg5[%swap3A_51, %swap3A_52] : memref<1x128xf32, #tpu.memory_space<vmem>>, vector<1x128xf32>
    tpu.vector_store %arg5[%swap3A_51, %swap3A_52], %add3A_50 {strides = array<i32>} : memref<1x128xf32, #tpu.memory_space<vmem>>, vector<1x128xf32>,
    %broadcast_in_dim3A_54 = arith.constant 1.000000e+00 : f32
    %broadcast_in_dim3A_55 = vector.broadcast %broadcast_in_dim3A_54 : f32 to vector<1x1024xf32>
    %get3A_56 = arith.constant 0 : index
    %get3A_57 = arith.constant 0 : index
    %get3A_58 = vector.load %arg6[%get3A_56, %get3A_57] : memref<1x1024xf32, #tpu.memory_space<vmem>>, vector<1x1024xf32>
    %dot_general3A_59 = arith.constant dense<0.000000e+00> : vector<1x1024xf32>
    %dot_general3A_60 = tpu.matmul %broadcast_in_dim3A_55, %convert_element_type3A_33, %dot_general3A_59 {dimension_numbers = #tpu.dot_dimension_numbers<[1], [0], [0], [1], [0, 0, 1, 1], [], []>, transpose_lhs_hint = false} : vector<1x1024xf32>, vector<1024x1024xf32>, vector<1x1024xf32> -> vector<1x1024xf32>
    %add3A_61 = arith.addf %get3A_58, %dot_general3A_60 : vector<1x1024xf32>
    %swap3A_62 = arith.constant 0 : index
    %swap3A_63 = arith.constant 0 : index
    %swap3A_64 = vector.load %arg6[%swap3A_62, %swap3A_63] : memref<1x1024xf32, #tpu.memory_space<vmem>>, vector<1x1024xf32>
    tpu.vector_store %arg6[%swap3A_62, %swap3A_63], %add3A_61 {strides = array<i32>} : memref<1x1024xf32, #tpu.memory_space<vmem>>, vector<1x1024xf32>,
    %eq3A_65 = arith.constant 31 : i32
    %eq3A_66 = arith.cmpi eq, %arg0, %eq3A_65 : i32
    %convert_element_type3A_67 = arith.extui %eq3A_66 : i1 to i32
    %cond3A_68 = arith.constant 0 : i32
    %cond3A_69 = arith.cmpi ne, %convert_element_type3A_67, %cond3A_68 : i32
    scf.if %cond3A_69 {
      %get3A_70 = arith.constant 0 : index
      %get3A_71 = arith.constant 0 : index
      %get3A_72 = vector.load %arg5[%get3A_70, %get3A_71] : memref<1x128xf32, #tpu.memory_space<vmem>>, vector<1x128xf32>
      %mul3A_73 = arith.constant 1.1920929E-7 : f32
      %mul3A_74 = vector.broadcast %mul3A_73 : f32 to vector<1x128xf32>
      %mul3A_75 = arith.mulf %get3A_72, %mul3A_74 : vector<1x128xf32>
      %swap3A_76 = arith.constant 0 : index
      %swap3A_77 = arith.constant 0 : index
      %swap3A_78 = vector.load %arg5[%swap3A_76, %swap3A_77] : memref<1x128xf32, #tpu.memory_space<vmem>>, vector<1x128xf32>
      tpu.vector_store %arg5[%swap3A_76, %swap3A_77], %mul3A_75 {strides = array<i32>} : memref<1x128xf32, #tpu.memory_space<vmem>>, vector<1x128xf32>,
      %get3A_79 = arith.constant 0 : index
      %get3A_80 = arith.constant 0 : index
      %get3A_81 = vector.load %arg6[%get3A_79, %get3A_80] : memref<1x1024xf32, #tpu.memory_space<vmem>>, vector<1x1024xf32>
      %div3A = arith.constant 3.276800e+04 : f32
      %div3A_82 = vector.broadcast %div3A : f32 to vector<1x1024xf32>
      %div3A_83 = arith.divf %get3A_81, %div3A_82 : vector<1x1024xf32>
      %add3A_84 = arith.constant 1.000000e-10 : f32
      %add3A_85 = vector.broadcast %add3A_84 : f32 to vector<1x1024xf32>
      %add3A_86 = arith.addf %div3A_83, %add3A_85 : vector<1x1024xf32>
      %log3A = math.log %add3A_86 : vector<1x1024xf32>
      %mul3A_87 = arith.mulf %div3A_83, %log3A : vector<1x1024xf32>
      %reduce_sum3A_88 = vector.shape_cast %mul3A_87 : vector<1x1024xf32> to vector<1x1x1024xf32>
      %reduce_sum3A_89 = arith.constant dense<0.000000e+00> : vector<1xf32>
      %reduce_sum3A_90 = vector.multi_reduction <add>, %reduce_sum3A_88, %reduce_sum3A_89 [1, 2] : vector<1x1x1024xf32> to vector<1xf32>
      %reduce_sum3A_91 = vector.shape_cast %reduce_sum3A_90 : vector<1xf32> to vector<1x1x1xf32>
      %reduce_sum3A_92 = vector.extract %reduce_sum3A_91[0, 0, 0] : f32 from vector<1x1x1xf32>
      %neg3A = arith.constant 0.000000e+00 : f32
      %neg3A_93 = arith.subf %neg3A, %reduce_sum3A_92 : f32
      %exp3A = math.exp %neg3A_93 : f32
      %broadcast_in_dim3A_94 = vector.broadcast %exp3A : f32 to vector<1x128xf32>
      %swap3A_95 = arith.constant 0 : index
      %swap3A_96 = arith.constant 0 : index
      %swap3A_97 = vector.load %arg7[%swap3A_95, %swap3A_96] : memref<1x128xf32, #tpu.memory_space<vmem>>, vector<1x128xf32>
      tpu.vector_store %arg7[%swap3A_95, %swap3A_96], %broadcast_in_dim3A_94 {strides = array<i32>} : memref<1x128xf32, #tpu.memory_space<vmem>>, vector<1x128xf32>,
    } else {
    }
    return
  }
  func.func @transform_0(%arg0: i32) -> (i32, i32) {
    %c0_i32 = arith.constant 0 : i32
    %c0_i32_0 = arith.constant 0 : i32
    return %arg0, %c0_i32 : i32, i32
  }
  func.func @transform_1(%arg0: i32) -> (i32, i32) {
    %c0_i32 = arith.constant 0 : i32
    %c0_i32_0 = arith.constant 0 : i32
    %c0_i32_1 = arith.constant 0 : i32
    return %c0_i32, %c0_i32_0 : i32, i32
  }
  func.func @transform_2(%arg0: i32) -> (i32, i32) {
    %c0_i32 = arith.constant 0 : i32
    %c0_i32_0 = arith.constant 0 : i32
    return %arg0, %c0_i32 : i32, i32
  }
  func.func @transform_3(%arg0: i32) -> (i32, i32, i32) {
    %c0_i32 = arith.constant 0 : i32
    %c0_i32_0 = arith.constant 0 : i32
    %c0_i32_1 = arith.constant 0 : i32
    return %arg0, %c0_i32, %c0_i32_0 : i32, i32, i32
  }
  func.func @transform_4(%arg0: i32) -> (i32, i32) {
    %c0_i32 = arith.constant 0 : i32
    %c0_i32_0 = arith.constant 0 : i32
    %c0_i32_1 = arith.constant 0 : i32
    return %c0_i32, %c0_i32_0 : i32, i32
  }
  func.func @transform_5(%arg0: i32) -> (i32, i32) {
    %c0_i32 = arith.constant 0 : i32
    %c0_i32_0 = arith.constant 0 : i32
    %c0_i32_1 = arith.constant 0 : i32
    return %c0_i32, %c0_i32_0 : i32, i32
  }
  func.func @transform_6(%arg0: i32) -> (i32, i32) {
    %c0_i32 = arith.constant 0 : i32
    %c0_i32_0 = arith.constant 0 : i32
    %c0_i32_1 = arith.constant 0 : i32
    return %c0_i32, %c0_i32_0 : i32, i32
  }
}

</mosaic_0001>

<sc_bundles>
// kernel: kernel.4.cloned.1.call-start
scs
__scs_entry_jumppad:
0x0: {  	(pc) =	sbr.rel $0x88, $3  }
0x1: {  	(tag) =	ssettag $0x0;
	lr =	simm.s32 $0x1  }
0x2: {  	[smem:$0x3F9F] =	sst lr;
	_ =	strace $0xD0000000  }
0x3: {  	_ = 	snop  }
0x4: {  	_ = 	snop  }
0x5: {  	_ = 	snop  }
0x6: {  	_ = 	snop  }
0x7: {  	_ = 	snop  }
__scs_overlays_trampoline_lowered:
0x8: {  	[smem:$0x3FAE] =	sst s0  }
0x9: {  	[smem:$0x3FAF] =	sst s1  }
0xa: {  	[smem:$0x3FB0] =	sst s2  }
0xb: {  	[smem:$0x3FB1] =	sst s3  }
0xc: {  	[smem:$0x3FB2] =	sst s4  }
0xd: {  	[smem:$0x3FB3] =	sst s5  }
0xe: {  	[smem:$0x3FB4] =	sst s6  }
0xf: {  	[smem:$0x3FB5] =	sst s7  }
0x10: {  	[smem:$0x3FB6] =	sst s8  }
0x11: {  	[smem:$0x3FB7] =	sst s9;
	s0 =	simm.s32 @!p0 $0x0  }
0x12: {  	s1 =	sld [smem:$0x3F9D];
	s0 =	simm.s32 @p0 $0x1  }
0x13: {  	[smem:$0x3FB8] =	sst s0;
	s0 =	simm.s32 @!p1 $0x0  }
0x14: {  	s2 =	sld [smem:$0x3F9C];
	s0 =	simm.s32 @p1 $0x1  }
0x15: {  	[smem:$0x3FB9] =	sst s0;
	s0 =	simm.s32 @!p2 $0x0  }
0x16: {  	s3 =	sld [smem:$0x3FDB];
	s0 =	simm.s32 @p2 $0x1  }
0x17: {  	s4 =	simm.s32 $0x1BF5;
	[smem:$0x3FBB] =	sst s0  }
0x18: {  	s0 =	sld [smem:$0x3F9E];
	_ =	swait.ge [sflag:s4], $0x0  }
0x19: {  	s7 =	sld [smem:$0x3F9F]  }
0x1a: {  	s8 =	sadd.s32 $0xFFFFE003, lr  }
0x1b: {  	s9 =	sadd.s32 $0xFFFFFEF7, lr;
	s5 =	simm.s32 $0xFFFFFFFF;
	p2 =	slt.u32 s8, $0xFFFFF086  }
0x1c: {  	p1 =	slt.u32 s9, $0xF7A;
	s5 =	simm.s32 @!p2 $0x0  }
0x1d: {  	s5 =	simm.s32 @p1 $0x1;
	p0 =	seq.s32 s7, s2  }
0x1e: {  	s7 =	smul.u32 @!p0 $0xF7A, s2;
	p2 =	seq.s32 @!p0 s5, $0x0  }
0x1f: {  	s9 =	smul.u32 $0xF7A, s1;
	s8 =	simm.s32 @!p0 $0x1BF5;
	p2 =	por !p2, p0  }
0x20: {  	[sflag:s8] =	ssyncset.s32 @!p0 $0xFFFFF086;
	s6 =	sadd.s32 @!p0 s3, s7;
	s7 =	simm.s32 @!p0 $0x108  }
0x21: {  	s3 =	sadd.s32 s3, s9;
	s6 =	sadd.s32 @!p0 $0x88, s6;
	s7 =	simm.s32 @p2 $0x1082  }
0x22: {  	[simem:s7], [sflag:s8] =	dma.local @!p0 [hbm:s6], $0xF7A  }
0x23: {  	s9 =	sor.u32 $0xD0000000, s2;
	s6 =	simm.s32 $0x108;
	_ =	swait.ge @!p0 [sflag:s8], $0x0  }
0x24: {  	s3 =	sadd.s32 $0x88, s3;
	s6 =	simm.s32 @!p1 $0x1082;
	[sflag:s4] =	ssyncset.s32 $0xFFFFF086  }
0x25: {  	[simem:s6], [sflag:s4] =	dma.local [hbm:s3], $0xF7A  }
0x26: {  	[smem:$0x3F9F] =	sst s1;
	(tag) =	ssettag s2;
	_ =	strace s9  }
0x27: {  	s1 =	sld [smem:$0x3FAF]  }
0x28: {  	s2 =	sld [smem:$0x3FB0]  }
0x29: {  	s4 =	sld [smem:$0x3FB2]  }
0x2a: {  	p0 =	seq.s32 s5, $0x0;
	s5 =	sld [smem:$0x3FB3]  }
0x2b: {  	s6 =	sld [smem:$0x3FB4]  }
0x2c: {  	s7 =	sld [smem:$0x3FB5]  }
0x2d: {  	s3 =	simm.s32 $0x108;
	s8 =	sld [smem:$0x3FB6]  }
0x2e: {  	s3 =	simm.s32 @!p0 $0x1082;
	s9 =	sld [smem:$0x3FB7]  }
0x2f: {  	lr =	sadd.s32 s0, s3;
	s0 =	sld [smem:$0x3FAE]  }
0x30: {  	s3 =	sld [smem:$0x3FB1]  }
0x31: {  	[smem:$0x3FBA] =	sst s10  }
0x32: {  	s10 =	sld [smem:$0x3FB8];
	_ =	sdelay $0x3  }
0x33: {  	p0 =	seq.s32 s10, $0x1;
	s10 =	sld [smem:$0x3FBA];
	_ =	sdelay $0x3  }
0x34: {  	[smem:$0x3FBA] =	sst s10  }
0x35: {  	s10 =	sld [smem:$0x3FB9];
	_ =	sdelay $0x3  }
0x36: {  	p1 =	seq.s32 s10, $0x1;
	s10 =	sld [smem:$0x3FBA];
	_ =	sdelay $0x3  }
0x37: {  	[smem:$0x3FBA] =	sst s10  }
0x38: {  	s10 =	sld [smem:$0x3FBB]  }
0x39: {  	_ = 	snop;
	(pc) =	sbr.ind lr, $3  }
0x3a: {  	_ = 	snop  }
0x3b: {  	_ = 	snop  }
0x3c: {  	p2 =	seq.s32 s10, $0x1;
	s10 =	sld [smem:$0x3FBA]  }
0x3d: {  	_ =	shalt  }
0x3e: {  	_ =	shalt  }
0x3f: {  	_ =	shalt  }
0x40: {  	_ =	shalt  }
0x41: {  	_ =	shalt  }
0x42: {  	_ =	shalt  }
0x43: {  	_ =	shalt  }
0x44: {  	_ =	shalt  }
0x45: {  	_ =	shalt  }
0x46: {  	_ =	shalt  }
0x47: {  	_ =	shalt  }
0x48: {  	_ =	shalt  }
0x49: {  	_ =	shalt  }
0x4a: {  	_ =	shalt  }
0x4b: {  	_ =	shalt  }
0x4c: {  	_ =	shalt  }
0x4d: {  	_ =	shalt  }
0x4e: {  	_ =	shalt  }
0x4f: {  	_ =	shalt  }
0x50: {  	_ =	shalt  }
0x51: {  	_ =	shalt  }
0x52: {  	_ =	shalt  }
0x53: {  	_ =	shalt  }
0x54: {  	_ =	shalt  }
0x55: {  	_ =	shalt  }
0x56: {  	_ =	shalt  }
0x57: {  	_ =	shalt  }
0x58: {  	_ =	shalt  }
0x59: {  	_ =	shalt  }
0x5a: {  	_ =	shalt  }
0x5b: {  	_ =	shalt  }
0x5c: {  	_ =	shalt  }
0x5d: {  	_ =	shalt  }
0x5e: {  	_ =	shalt  }
0x5f: {  	_ =	shalt  }
0x60: {  	_ =	shalt  }
0x61: {  	_ =	shalt  }
0x62: {  	_ =	shalt  }
0x63: {  	_ =	shalt  }
0x64: {  	_ =	shalt  }
0x65: {  	_ =	shalt  }
0x66: {  	_ =	shalt  }
0x67: {  	_ =	shalt  }
0x68: {  	_ =	shalt  }
0x69: {  	_ =	shalt  }
0x6a: {  	_ =	shalt  }
0x6b: {  	_ =	shalt  }
0x6c: {  	_ =	shalt  }
0x6d: {  	_ =	shalt  }
0x6e: {  	_ =	shalt  }
0x6f: {  	_ =	shalt  }
0x70: {  	_ =	shalt  }
0x71: {  	_ =	shalt  }
0x72: {  	_ =	shalt  }
0x73: {  	_ =	shalt  }
0x74: {  	_ =	shalt  }
0x75: {  	_ =	shalt  }
0x76: {  	_ =	shalt  }
0x77: {  	_ =	shalt  }
0x78: {  	_ =	shalt  }
0x79: {  	_ =	shalt  }
0x7a: {  	_ =	shalt  }
0x7b: {  	_ =	shalt  }
0x7c: {  	_ =	shalt  }
0x7d: {  	_ =	shalt  }
0x7e: {  	_ =	shalt  }
0x7f: {  	_ =	shalt  }
0x80: {  	_ =	shalt  }
0x81: {  	_ =	shalt  }
0x82: {  	_ =	shalt  }
0x83: {  	_ =	shalt  }
0x84: {  	_ =	shalt  }
0x85: {  	_ =	shalt  }
0x86: {  	_ =	shalt  }
0x87: {  	_ =	shalt  }
.Lfunc_end0:
.L_simem_size_0:
called_computation_lowered:
.L_overlay_start_0:
0x88: {  	s2 =	sld [smem:$0x3FD9]  }
0x89: {  	s3 =	sld [smem:$0x3FFE];
	_ =	sdelay $0x1  }
0x8a: {  	s1 =	srdreg.scid  }
0x8b: {  	s0 =	sand.u32 $0x1, s1  }
0x8c: {  	s14 =	sshll.u32 s0, $0xA;
	s2 =	sadd.s32 s3, s2  }
0x8d: {  	s2 =	sadd.s32 s2, s14  }
0x8e: {  	[smem:$0x3FC6] =	sst s2  }
0x8f: {  	_ = 	snop  }
0x90: {  	s2 =	sld [smem:$0x3FD0];
	_ =	sdelay $0x2  }
0x91: {  	s15 =	simm.s32 $0xA;
	s4 =	simm.s32 $0x10  }
0x92: {  	[smem:s4], [sflag:s15] =	dma.local [hbm:s2], $0x1  }
0x93: {  	_ =	swait.eq [sflag:s15], $0x1  }
0x94: {  	[sflag:s15] =	ssyncset.done $0x0  }
0x95: {  	s16 =	sld [smem:$0x11];
	[sflag:s15] =	ssyncadd.s32 $0xFFFFFFFF  }
0x96: {  	s17 =	sld [smem:$0x14];
	(tm) =	ssettm $0x1  }
0x97: {  	s18 =	sld [smem:$0x3FFB];
	_ =	sdelay $0x3  }
0x98: {  	_ =	strace s18  }
0x99: {  	s4 =	sld [smem:$0x3FFC];
	_ =	sdelay $0x3  }
0x9a: {  	_ =	strace s4  }
0x9b: {  	s4 =	sld [smem:$0x3FFD];
	_ =	sdelay $0x3  }
0x9c: {  	_ =	strace s4  }
0x9d: {  	_ =	strace $0x8FFFFFFF  }
0x9e: {  	s19 =	sld [smem:$0x3FDB];
	_ =	sdelay $0x1  }
0x9f: {  	s5 =	simm.s32 $_scs_section_size  }
0xa0: {  	s6 =	simm.s32 $_size__tile_overlayer_lowered;
	s7 =	simm.s32 $_tile_overlayer_lowered  }
0xa1: {  	s22 =	simm.s32 $0x1BFF;
	s21 =	sshll.u32 s7, $0x1;
	s4 =	sadd.s32 s5, s19  }
0xa2: {  	s8 =	simm.s32 $0x0;
	s20 =	sshll.u32 s6, $0x1;
	s6 =	sadd.s32 s21, s4  }
0xa3: {  	[timem:s8], [sflag:s22] =	dma.local [hbm:s6], s20  }
0xa4: {  	_ =	swait.ge [sflag:s22], s20  }
0xa5: {  	s5 =	ssub.s32 $0x0, s20;
	[sflag:s22] =	ssyncset.done $0x0  }
0xa6: {  	[sflag:s22] =	ssyncadd.s32 s5;
	_ =	sdelay $0x1  }
0xa7: {  	s23 =	simm.s32 $0x1B8B  }
0xa8: {  	_ =	swait.ge [sflag:s23], $0x1  }
0xa9: {  	[sflag:s23] =	ssyncset.done $0x0  }
0xaa: {  	s25 =	simm.s32 $0x1B8E;
	s24 =	sld [smem:$0x3FFE];
	[sflag:s23] =	ssyncadd.s32 $0xFFFFFFFF  }
0xab: {  	s26 =	simm.s32 $execute0_lowered;
	[smem:$0x3FD2] =	sst s25  }
0xac: {  	s6 =	sshll.u32 s26, $0x1;
	_ =	strace $0x80000046;
	[dreg:$0x1] =	wrdreg $0xFFFFFFFF  }
0xad: {  	s28 =	simm.s32 $_size_execute0_lowered;
	s4 =	sadd.s32 s4, s6;
	[dreg:$0x0] =	wrdreg $0x0  }
0xae: {  	s6 =	sshll.u32 s28, $0x1;
	[dreg:$0x2] =	wrdreg s4  }
0xaf: {  	[dreg:$0x3] =	wrdreg s6  }
0xb0: {  	[dreg:$0x4] =	wrdreg $0xC0  }
0xb1: {  	_ =	task [dreg:s8], $0x5FFFF  }
0xb2: {  	[dreg:$0x1] =	wrdreg $0xFFFFFFFF  }
0xb3: {  	[dreg:$0x0] =	wrdreg $0x60  }
0xb4: {  	[dreg:$0x2] =	wrdreg s24  }
0xb5: {  	[dreg:$0x3] =	wrdreg s17  }
0xb6: {  	[dreg:$0x4] =	wrdreg s16  }
0xb7: {  	[dreg:$0x5] =	wrdreg $0x9  }
0xb8: {  	_ =	task.clear_ibuf [dreg:s8], $0x6FFFF;
	_ =	strace $0x90000046  }
0xb9: {  	s29 =	simm.s32 $0x9;
	_ =	strace $0x80000048  }
0xba: {  	_ =	swait.ge [sflag:s29], $0x1  }
0xbb: {  	[sflag:s29] =	ssyncadd.s32 $0xFFFFFFFF  }
0xbc: {  	_ =	strace $0x90000048  }
0xbd: {  	_ =	sfence  }
0xbe: {  	s30 =	sld [smem:$0x0];
	_ =	sdelay $0x2  }
0xbf: {  	s31 =	sshll.u32 s1, $0xD;
	s1 =	sshrl.u32 s1, $0x2  }
0xc0: {  	s3 =	sand.u32 $0x4000, s31;
	s1 =	sadd.s32 s1, s30  }
0xc1: {  	s0 =	sor.u32 s3, s0;
	s1 =	sshll.u32 s1, $0x11  }
0xc2: {  	s0 =	sor.u32 s1, s0  }
0xc3: {  	s0 =	sadd.s32 $0x8F2B, s0  }
0xc4: {  	[sflag:s0] =	ssyncadd.remote.s32 $0x1  }
0xc5: {  	_ =	sfence.sel $0xFFFF  }
0xc6: {  	[dreg:$0x0] =	wrdreg $0xFFFFFFFF;
	(pc) =	sbr.abs _section_cstart, $3  }
0xc7: {  	[dreg:$0x1] =	wrdreg $0xFFFFFFFF  }
0xc8: {  	_ =	task.clear_ibuf [dreg:s8], $0x2FFFF;
	_ =	strace $0x9FFFFFFF  }
0xc9: {  	(tm) =	ssettm $0x7FFFFFFF  }
tec
execute0_lowered:
.L_overlay_start_1:
0x0: {  	(tag) =	ssettag $0x1  }
0x1: {  	s5 =	rddreg [dreg:$0x0];
	s1 =	srdreg.scid  }
0x2: {  	s3 =	rddreg [dreg:$0x1];
	s0 =	stileid.u32;
	s19 =	sand.u32 $0x1, s1  }
0x3: {  	s14 =	rddreg [dreg:$0x2];
	s4 =	sshll.u32 s0, $0xB;
	s6 =	sshll.u32 s19, $0xA  }
0x4: {  	s2 =	simm.s32 $0x0;
	s1 =	rddreg [dreg:$0x3];
	s15 =	sor.u32 s6, s4  }
0x5: {  	[smem:$0x7FF] =	sst s2;
	s4 =	sshrl.u32 s15, $0x3  }
0x6: {  	_ =	strace $0x80000047;
	s4 =	sadd.s32 s3, s4;
	s3 =	simm.s32 $0x2  }
0x7: {  	[tilespmem:s2], [sflag:$0x2] =	stream.linear.gather [hbm4b:s4+s2], $0x400, $0x38;
	[tilespmem:$0x10400] =	vst v63  }
0x8: {  	_ =	swait.ge [sflag:s3], $0x400  }
0x9: {  	s7 =	simm.s32 $0x400;
	[sflag:s3] =	ssyncset.done $0x0  }
0xa: {  	s5 =	sadd.s32 $0xA00, s5;
	s6 =	simm.s32 $0x80;
	[sflag:s3] =	ssyncadd.s32 $0xFFFFFC00  }
0xb: {  	[tilespmem:s7], [sflag:$0x1] =	stream.indirect.gather [hbm4b:s5+s6], $0x80, s2, s6, $0xb8;
	[tilespmem:$0x10400] =	vst v63  }
0xc: {  	s8 =	simm.s32 $0x4400  }
0xd: {  	[tilespmem:s8], [sflag:$0x1] =	stream.indirect.gather [hbm4b:s5+s6], $0x80, s6, s6, $0xb8;
	[tilespmem:$0x10400] =	vst v63  }
0xe: {  	s9 =	simm.s32 $0x100;
	s10 =	simm.s32 $0x8400  }
0xf: {  	[tilespmem:s10], [sflag:$0x1] =	stream.indirect.gather [hbm4b:s5+s6], $0x80, s9, s6, $0xb8;
	[tilespmem:$0x10400] =	vst v63  }
0x10: {  	s11 =	simm.s32 $0x180;
	s12 =	simm.s32 $0xC400;
	s13 =	simm.s32 $0x1  }
0x11: {  	[tilespmem:s12], [sflag:$0x1] =	stream.indirect.gather [hbm4b:s5+s6], $0x80, s11, s6, $0xb8;
	[tilespmem:$0x10400] =	vst v63  }
0x12: {  	_ =	swait.ge [sflag:s13], $0x4000  }
0x13: {  	[sflag:s13] =	ssyncset.done $0x0  }
0x14: {  	[sflag:s13] =	ssyncadd.s32 $0xFFFFC000  }
0x15: {  	_ =	swait.ge [sflag:s13], $0x4000  }
0x16: {  	[sflag:s13] =	ssyncset.done $0x0  }
0x17: {  	[sflag:s13] =	ssyncadd.s32 $0xFFFFC000  }
0x18: {  	_ =	swait.ge [sflag:s13], $0x4000  }
0x19: {  	[sflag:s13] =	ssyncset.done $0x0  }
0x1a: {  	[sflag:s13] =	ssyncadd.s32 $0xFFFFC000  }
0x1b: {  	_ =	swait.ge [sflag:s13], $0x4000  }
0x1c: {  	s15 =	sshll.u32 s15, $0x4;
	[sflag:s13] =	ssyncset.done $0x0  }
0x1d: {  	s14 =	sadd.s32 s14, s15;
	[sflag:s13] =	ssyncadd.s32 $0xFFFFC000  }
0x1e: {  	[hbm4b:s14+s2] =	stream.linear.scatter [tilespmem:s7], [sflag:$0x2], $0x10000, $0x38;
	[tilespmem:$0x10400] =	vst v63  }
0x1f: {  	_ =	swait.ge [sflag:s3], $0x10000  }
0x20: {  	[sflag:s3] =	ssyncset.done $0x0  }
0x21: {  	s15 =	simm.s32 $0x200;
	[sflag:s3] =	ssyncadd.s32 $0xFFFF0000  }
0x22: {  	[tilespmem:s7], [sflag:$0x1] =	stream.indirect.gather [hbm4b:s5+s6], $0x80, s15, s6, $0xb8;
	[tilespmem:$0x10400] =	vst v63  }
0x23: {  	s16 =	simm.s32 $0x280  }
0x24: {  	[tilespmem:s8], [sflag:$0x1] =	stream.indirect.gather [hbm4b:s5+s6], $0x80, s16, s6, $0xb8;
	[tilespmem:$0x10400] =	vst v63  }
0x25: {  	s17 =	simm.s32 $0x300  }
0x26: {  	[tilespmem:s10], [sflag:$0x1] =	stream.indirect.gather [hbm4b:s5+s6], $0x80, s17, s6, $0xb8;
	[tilespmem:$0x10400] =	vst v63  }
0x27: {  	s18 =	simm.s32 $0x380  }
0x28: {  	[tilespmem:s12], [sflag:$0x1] =	stream.indirect.gather [hbm4b:s5+s6], $0x80, s18, s6, $0xb8;
	[tilespmem:$0x10400] =	vst v63  }
0x29: {  	_ =	swait.ge [sflag:s13], $0x4000  }
0x2a: {  	[sflag:s13] =	ssyncset.done $0x0  }
0x2b: {  	[sflag:s13] =	ssyncadd.s32 $0xFFFFC000  }
0x2c: {  	_ =	swait.ge [sflag:s13], $0x4000  }
0x2d: {  	[sflag:s13] =	ssyncset.done $0x0  }
0x2e: {  	s19 =	ssub.s32 $0x2, s19;
	[sflag:s13] =	ssyncadd.s32 $0xFFFFC000  }
0x2f: {  	s20 =	sshrl.u32 s19, $0x1;
	_ =	swait.ge [sflag:s13], $0x4000  }
0x30: {  	s20 =	ssub.s32 s19, s20;
	[sflag:s13] =	ssyncset.done $0x0  }
0x31: {  	s20 =	smax.u32 s20, $0x1;
	[sflag:s13] =	ssyncadd.s32 $0xFFFFC000  }
0x32: {  	p0 =	sne.s32 s20, $0x1;
	_ =	swait.ge [sflag:s13], $0x4000  }
.Ltmp0:
0x33: {  	[sflag:s13] =	ssyncset.done $0x0;
	(pc) =	sbr.rel @!p0 .LBB2_2-.Ltmp0, $4  }
0x34: {  	s19 =	sadd.s32 $0x2000, s14;
	[sflag:s13] =	ssyncadd.s32 $0xFFFFC000  }
0x35: {  	[hbm4b:s19+s2] =	stream.linear.scatter [tilespmem:s7], [sflag:$0x2], $0x10000, $0x38;
	[tilespmem:$0x10400] =	vst v63  }
0x36: {  	_ =	swait.ge [sflag:s3], $0x10000  }
0x37: {  	s20 =	sadd.s32 $0xFFFFFFFF, s20;
	[sflag:s3] =	ssyncset.done $0x0  }
.LBB2_1:
0x38: {  	p0 =	sne.s32 s20, $0x1;
	s20 =	sadd.s32 $0xFFFFFFFF, s20;
	[sflag:s3] =	ssyncadd.s32 $0xFFFF0000  }
0x39: {  	[tilespmem:s2], [sflag:$0x2] =	stream.linear.gather [hbm4b:s4+s2], $0x400, $0x38;
	[tilespmem:$0x10400] =	vst v63  }
0x3a: {  	_ =	swait.ge [sflag:s3], $0x400  }
0x3b: {  	[sflag:s3] =	ssyncset.done $0x0  }
0x3c: {  	[sflag:s3] =	ssyncadd.s32 $0xFFFFFC00  }
0x3d: {  	[tilespmem:s7], [sflag:$0x1] =	stream.indirect.gather [hbm4b:s5+s6], $0x80, s2, s6, $0xb8;
	[tilespmem:$0x10400] =	vst v63  }
0x3e: {  	_ = 	snop  }
0x3f: {  	[tilespmem:s8], [sflag:$0x1] =	stream.indirect.gather [hbm4b:s5+s6], $0x80, s6, s6, $0xb8;
	[tilespmem:$0x10400] =	vst v63  }
0x40: {  	_ = 	snop  }
0x41: {  	[tilespmem:s10], [sflag:$0x1] =	stream.indirect.gather [hbm4b:s5+s6], $0x80, s9, s6, $0xb8;
	[tilespmem:$0x10400] =	vst v63  }
0x42: {  	_ = 	snop  }
0x43: {  	[tilespmem:s12], [sflag:$0x1] =	stream.indirect.gather [hbm4b:s5+s6], $0x80, s11, s6, $0xb8;
	[tilespmem:$0x10400] =	vst v63  }
0x44: {  	_ =	swait.ge [sflag:s13], $0x4000  }
0x45: {  	[sflag:s13] =	ssyncset.done $0x0  }
0x46: {  	[sflag:s13] =	ssyncadd.s32 $0xFFFFC000  }
0x47: {  	_ =	swait.ge [sflag:s13], $0x4000  }
0x48: {  	[sflag:s13] =	ssyncset.done $0x0  }
0x49: {  	[sflag:s13] =	ssyncadd.s32 $0xFFFFC000  }
0x4a: {  	_ =	swait.ge [sflag:s13], $0x4000  }
0x4b: {  	[sflag:s13] =	ssyncset.done $0x0  }
0x4c: {  	[sflag:s13] =	ssyncadd.s32 $0xFFFFC000  }
0x4d: {  	_ =	swait.ge [sflag:s13], $0x4000  }
0x4e: {  	[sflag:s13] =	ssyncset.done $0x0  }
0x4f: {  	[sflag:s13] =	ssyncadd.s32 $0xFFFFC000  }
0x50: {  	[hbm4b:s14+s2] =	stream.linear.scatter [tilespmem:s7], [sflag:$0x2], $0x10000, $0x38;
	[tilespmem:$0x10400] =	vst v63  }
0x51: {  	_ =	swait.ge [sflag:s3], $0x10000  }
0x52: {  	[sflag:s3] =	ssyncset.done $0x0  }
0x53: {  	[sflag:s3] =	ssyncadd.s32 $0xFFFF0000  }
0x54: {  	[tilespmem:s7], [sflag:$0x1] =	stream.indirect.gather [hbm4b:s5+s6], $0x80, s15, s6, $0xb8;
	[tilespmem:$0x10400] =	vst v63  }
0x55: {  	_ = 	snop  }
0x56: {  	[tilespmem:s8], [sflag:$0x1] =	stream.indirect.gather [hbm4b:s5+s6], $0x80, s16, s6, $0xb8;
	[tilespmem:$0x10400] =	vst v63  }
0x57: {  	_ = 	snop  }
0x58: {  	[tilespmem:s10], [sflag:$0x1] =	stream.indirect.gather [hbm4b:s5+s6], $0x80, s17, s6, $0xb8;
	[tilespmem:$0x10400] =	vst v63  }
0x59: {  	_ = 	snop  }
0x5a: {  	[tilespmem:s12], [sflag:$0x1] =	stream.indirect.gather [hbm4b:s5+s6], $0x80, s18, s6, $0xb8;
	[tilespmem:$0x10400] =	vst v63  }
0x5b: {  	_ =	swait.ge [sflag:s13], $0x4000  }
0x5c: {  	[sflag:s13] =	ssyncset.done $0x0  }
0x5d: {  	[sflag:s13] =	ssyncadd.s32 $0xFFFFC000  }
0x5e: {  	_ =	swait.ge [sflag:s13], $0x4000  }
0x5f: {  	[sflag:s13] =	ssyncset.done $0x0  }
0x60: {  	[sflag:s13] =	ssyncadd.s32 $0xFFFFC000  }
0x61: {  	_ =	swait.ge [sflag:s13], $0x4000  }
0x62: {  	[sflag:s13] =	ssyncset.done $0x0  }
0x63: {  	[sflag:s13] =	ssyncadd.s32 $0xFFFFC000  }
0x64: {  	_ =	swait.ge [sflag:s13], $0x4000  }
.Ltmp1:
0x65: {  	[sflag:s13] =	ssyncset.done $0x0;
	(pc) =	sbr.rel @p0 .LBB2_1-.Ltmp1, $4  }
0x66: {  	[sflag:s13] =	ssyncadd.s32 $0xFFFFC000  }
0x67: {  	[hbm4b:s19+s2] =	stream.linear.scatter [tilespmem:s7], [sflag:$0x2], $0x10000, $0x38;
	[tilespmem:$0x10400] =	vst v63  }
0x68: {  	_ =	swait.ge [sflag:s3], $0x10000  }
0x69: {  	[sflag:s3] =	ssyncset.done $0x0  }
.LBB2_2:
0x6a: {  	[sflag:s3] =	ssyncadd.s32 $0xFFFF0000  }
0x6b: {  	_ =	sfence.sel $0x180000  }
0x6c: {  	[bflag:$0x0] =	sbarrier.arrive $0xFFFF  }
0x6d: {  	p0 =	sne.s32 s0, $0x0;
	_ =	strace $0x90000047  }
0x6e: {  	s0 =	sadd.s32 @!p0 $0x100000, s1;
	[bflag:$0x2] =	sbarrier.arrive $0xFFFF  }
0x6f: {  	[sflag:s0] =	ssyncadd.tile.s32 @!p0 $0x1;
	_ =	shalt  }
.Lfunc_end2:
_tile_overlayer_lowered:
.L_overlay_start_2:
0x70: {  	(tag) =	ssettag $0x2  }
0x71: {  	s0 =	rddreg [dreg:$0x0];
	s2 =	stileid.u32  }
0x72: {  	s1 =	rddreg [dreg:$0x1];
	p0 =	sne.s32 s2, $0x0  }
0x73: {  	s3 =	rddreg [dreg:$0x2];
	[bflag:$0x3] =	sbarrier.arrive $0xFFFF;
	s2 =	simm.s32 @!p0 $0x1C02  }
0x74: {  	[timem:s3], [sflag:s2] =	dma.local @!p0 [hbm:s0], s1  }
0x75: {  	s0 =	simm.s32 @!p0 $0x2  }
0x76: {  	_ =	swait.ge @!p0 [sflag:s0], s1  }
0x77: {  	s1 =	ssub.s32 @!p0 $0x0, s1;
	[sflag:s0] =	ssyncset.done @!p0 $0x0  }
0x78: {  	[sflag:s0] =	ssyncadd.s32 @!p0 s1  }
0x79: {  	[bflag:$0x3] =	sbarrier.arrive $0xFFFF  }
0x7a: {  	_ =	shalt  }

</sc_bundles>
